<compile_context>
chip_gen: v7x
topology: tpu7x:2x2x1
jax: 0.10.2.dev20260603
libtpu: 0.0.44.dev20260713+nightly
codegen_flags: <defaults>
</compile_context>

<pallas_src>
import functools

import jax
import jax.numpy as jnp
from jax import lax
from jax.experimental import pallas as pl
from jax.experimental.pallas import tpu as pltpu
from jax.experimental.pallas import tpu_sc as plsc
from jax.experimental.layout import Layout, with_layout_constraint

DIM = 64
WIDE = 128
NUM_CORES = 2
NUM_SUBCORES = 16
NUM_WORKERS = NUM_CORES * NUM_SUBCORES
CHUNK = 400


@functools.partial(jax.jit, static_argnames=("total",))
def _gather_rows(ids_flat, table_wide, total):
    per_w = total // NUM_WORKERS
    n_chunks = per_w // CHUNK
    n_pairs = n_chunks // 2
    mesh = plsc.VectorSubcoreMesh(core_axis_name="c", subcore_axis_name="s")

    @functools.partial(
        pl.kernel,
        out_type=jax.ShapeDtypeStruct((total, WIDE), jnp.float32),
        mesh=mesh,
        scratch_types=[
            pltpu.VMEM((per_w,), jnp.int32),
            pltpu.VMEM((CHUNK, WIDE), jnp.float32),
            pltpu.VMEM((CHUNK, WIDE), jnp.float32),
            pltpu.SemaphoreType.DMA,
            pltpu.SemaphoreType.DMA,
        ],
    )
    def body(ids_hbm, table_hbm, out_hbm, idx_v, rows0_v, rows1_v, sem0, sem1):
        wid = lax.axis_index("s") * NUM_CORES + lax.axis_index("c")
        base = wid * per_w

        pltpu.sync_copy(ids_hbm.at[pl.ds(base, per_w)], idx_v)

        pltpu.async_copy(
            table_hbm.at[idx_v.at[pl.ds(0, CHUNK)]], rows0_v, sem0)

        @pl.loop(0, n_pairs)
        def _pair(j):
            i0 = 2 * j
            off0 = base + i0 * CHUNK
            off1 = off0 + CHUNK

            pltpu.async_copy(
                table_hbm.at[idx_v.at[pl.ds((i0 + 1) * CHUNK, CHUNK)]],
                rows1_v, sem1)

            pltpu.make_async_copy(
                table_hbm.at[idx_v.at[pl.ds(0, CHUNK)]], rows0_v, sem0).wait()
            pltpu.sync_copy(rows0_v, out_hbm.at[pl.ds(off0, CHUNK)])

            @pl.when(j < n_pairs - 1)
            def _():
                pltpu.async_copy(
                    table_hbm.at[idx_v.at[pl.ds((i0 + 2) * CHUNK, CHUNK)]],
                    rows0_v, sem0)

            pltpu.make_async_copy(
                table_hbm.at[idx_v.at[pl.ds(0, CHUNK)]], rows1_v, sem1).wait()
            pltpu.sync_copy(rows1_v, out_hbm.at[pl.ds(off1, CHUNK)])

    return body(ids_flat, table_wide)


def kernel(ids, pads, table):
    B, L = ids.shape
    total = B * L
    table_rm = with_layout_constraint(
        table, Layout(major_to_minor=(0, 1), tiling=((8, 128),)))
    table_wide = jnp.pad(table_rm, ((0, 0), (0, WIDE - DIM)))
    rows = _gather_rows(ids.reshape(total), table_wide, total)
    return rows[:, :DIM].reshape(B, L, DIM), pads

# --- scband reference (transcript-rebuilt; emitter-appended) ---
"""Pipeline reference for scband-embedding-model-15083925144256 (READ-ONLY COPY).

The authoritative reference and input builder live on the scoring server;
editing this copy changes nothing except your own understanding.
"""

import jax, jax.numpy as jnp
import numpy as np

VOCAB = 1000000
DIM = 64
B = 4096
L = 200
N_EMBS = VOCAB + 2  # + unk + padding rows
UNK_ID = VOCAB
PAD_ID = VOCAB + 1


def setup_inputs(seed: int = 0) -> dict:
    key = jax.random.key(seed)
    k_ids, k_tab, k_pad = jax.random.split(key, 3)
    # token ids, already padded to max_len L (original module pads python lists
    # with padding_id; here every sequence is full-length so pads==0)
    ids = jax.random.randint(k_ids, (B, L), 0, VOCAB, dtype=jnp.int32)
    pads = jnp.zeros((B,), dtype=jnp.int32)
    # pretrained embedding table: V rows + unk row + padding row (~N(-0.15, 0.15))
    main = jax.random.normal(k_tab, (N_EMBS - 1, DIM), dtype=jnp.float32) * 0.1
    padding_row = (-0.15 + 0.15 * jax.random.normal(k_pad, (1, DIM), dtype=jnp.float32))
    table = jnp.concatenate([main, padding_row], axis=0)
    return {"ids": ids, "pads": pads, "table": table}


def reference(ids, pads, table):
    # EmbeddingModel.forward: pad (done in setup), then embedding lookup,
    # returning (embeddings, per-sequence pad counts)
    emb = jnp.take(table, ids, axis=0)  # [B, L, DIM] gather
    return emb, pads

if __name__ == "__main__":
    import jax
    _d = setup_inputs()
    print(jax.jit(kernel)(*tuple(_d.values())))

</pallas_src>

<mosaic_0001>
#map = affine_map<(d0, d1) -> (0)>
#map1 = affine_map<(d0, d1) -> (0, 0)>
module attributes {stable_mosaic.version = 14 : i64} {
  func.func @body(%arg0: i32, %arg1: i32, %arg2: memref<819200xi32, #tpu.memory_space<hbm>>, %arg3: memref<1000002x128xf32, #tpu.memory_space<hbm>>, %arg4: memref<819200x128xf32, #tpu.memory_space<hbm>>, %arg5: memref<25600xi32, #tpu.memory_space<vmem>>, %arg6: memref<400x128xf32, #tpu.memory_space<vmem>>, %arg7: memref<400x128xf32, #tpu.memory_space<vmem>>, %arg8: memref<!tpu.dma_semaphore, #tpu.memory_space<semaphore_mem>>, %arg9: memref<!tpu.dma_semaphore, #tpu.memory_space<semaphore_mem>>) attributes {dimension_semantics = [#tpu.dimension_semantics<core_parallel>, #tpu.dimension_semantics<subcore_parallel>], iteration_bounds = array<i64: 2, 16>, scalar_prefetch = 0 : i64, scratch_operands = 5 : i64, tpu.core_type = #tpu.core_type<sc_vector_subcore>, window_params = [{transform_indices = #map}, {transform_indices = #map1}, {transform_indices = #map1}]} {
    %mul3A = arith.constant 2 : i32
    %mul3A_0 = arith.muli %arg1, %mul3A : i32
    %add3A = arith.addi %mul3A_0, %arg0 : i32
    %mul3A_1 = arith.constant 25600 : i32
    %mul3A_2 = arith.muli %add3A, %mul3A_1 : i32
    "tpu.region"() ({
      %run_scoped3A = tpu.sem_alloc : memref<!tpu.dma_semaphore, #tpu.memory_space<semaphore_mem>>
      %dma_start3A_11 = tpu.memref_slice %arg2[%mul3A_2] : memref<819200xi32, #tpu.memory_space<hbm>> -> memref<25600xi32, #tpu.memory_space<hbm>>
      %dma_start3A_12 = tpu.memref_slice %arg2[%mul3A_2] : memref<819200xi32, #tpu.memory_space<hbm>> -> memref<25600xi32, #tpu.memory_space<hbm>>
      tpu.enqueue_dma source(%dma_start3A_12 : memref<25600xi32, #tpu.memory_space<hbm>>) target(%arg5 : memref<25600xi32, #tpu.memory_space<vmem>>) target_semaphore(%run_scoped3A : memref<!tpu.dma_semaphore, #tpu.memory_space<semaphore_mem>>)
      %dma_wait3A = tpu.memref_slice %arg2[%mul3A_2] : memref<819200xi32, #tpu.memory_space<hbm>> -> memref<25600xi32, #tpu.memory_space<hbm>>
      %dma_wait3A_13 = tpu.memref_slice %arg2[%mul3A_2] : memref<819200xi32, #tpu.memory_space<hbm>> -> memref<25600xi32, #tpu.memory_space<hbm>>
      tpu.wait_dma2 semaphore(%run_scoped3A : memref<!tpu.dma_semaphore, #tpu.memory_space<semaphore_mem>>) src(%dma_wait3A_13 : memref<25600xi32, #tpu.memory_space<hbm>>) dst(%arg5 : memref<25600xi32, #tpu.memory_space<vmem>>)
      tpu.yield
    }) : () -> ()
    %dma_start3A = arith.constant 0 : i32
    %dma_start3A_3 = tpu.memref_slice %arg5[%dma_start3A] : memref<25600xi32, #tpu.memory_space<vmem>> -> memref<400xi32, #tpu.memory_space<vmem>>
    %dma_start3A_4 = arith.constant 0 : i32
    %dma_start3A_5 = arith.constant 0 : i32
    %dma_start3A_6 = tpu.memref_slice %arg3[%dma_start3A_4, %dma_start3A_5] : memref<1000002x128xf32, #tpu.memory_space<hbm>> -> memref<1000002x128xf32, #tpu.memory_space<hbm>>
    tpu.enqueue_indirect_dma source(%dma_start3A_6 : memref<1000002x128xf32, #tpu.memory_space<hbm>>) target(%arg6 : memref<400x128xf32, #tpu.memory_space<vmem>>) offsets(%dma_start3A_3 : memref<400xi32, #tpu.memory_space<vmem>>) semaphore(%arg8 : memref<!tpu.dma_semaphore, #tpu.memory_space<semaphore_mem>>)
    %scan3A = arith.constant 0 : i32
    %scan3A_7 = arith.constant 32 : i32
    %scan3A_8 = arith.addi %scan3A, %scan3A_7 : i32
    %scan3A_9 = arith.constant 1 : i32
    scf.for %scan3A_11 = %scan3A to %scan3A_8 step %scan3A_9  : i32 {
      %mul3A_12 = arith.constant 1 : i32
      %mul3A_13 = arith.muli %scan3A_11, %mul3A_12 : i32
      %add3A_14 = arith.constant 0 : i32
      %add3A_15 = arith.addi %add3A_14, %mul3A_13 : i32
      %mul3A_16 = arith.constant 2 : i32
      %mul3A_17 = arith.muli %mul3A_16, %add3A_15 : i32
      %mul3A_18 = arith.constant 400 : i32
      %mul3A_19 = arith.muli %mul3A_17, %mul3A_18 : i32
      %add3A_20 = arith.addi %mul3A_2, %mul3A_19 : i32
      %add3A_21 = arith.constant 400 : i32
      %add3A_22 = arith.addi %add3A_20, %add3A_21 : i32
      %add3A_23 = arith.constant 1 : i32
      %add3A_24 = arith.addi %mul3A_17, %add3A_23 : i32
      %mul3A_25 = arith.constant 400 : i32
      %mul3A_26 = arith.muli %add3A_24, %mul3A_25 : i32
      %dma_start3A_27 = tpu.memref_slice %arg5[%mul3A_26] : memref<25600xi32, #tpu.memory_space<vmem>> -> memref<400xi32, #tpu.memory_space<vmem>>
      %dma_start3A_28 = arith.constant 0 : i32
      %dma_start3A_29 = arith.constant 0 : i32
      %dma_start3A_30 = tpu.memref_slice %arg3[%dma_start3A_28, %dma_start3A_29] : memref<1000002x128xf32, #tpu.memory_space<hbm>> -> memref<1000002x128xf32, #tpu.memory_space<hbm>>
      tpu.enqueue_indirect_dma source(%dma_start3A_30 : memref<1000002x128xf32, #tpu.memory_space<hbm>>) target(%arg7 : memref<400x128xf32, #tpu.memory_space<vmem>>) offsets(%dma_start3A_27 : memref<400xi32, #tpu.memory_space<vmem>>) semaphore(%arg9 : memref<!tpu.dma_semaphore, #tpu.memory_space<semaphore_mem>>)
      %dma_wait3A = arith.constant 0 : i32
      %dma_wait3A_31 = tpu.memref_slice %arg5[%dma_wait3A] : memref<25600xi32, #tpu.memory_space<vmem>> -> memref<400xi32, #tpu.memory_space<vmem>>
      %dma_wait3A_32 = arith.constant 0 : i32
      %dma_wait3A_33 = arith.constant 0 : i32
      %dma_wait3A_34 = tpu.memref_slice %arg3[%dma_wait3A_32, %dma_wait3A_33] : memref<1000002x128xf32, #tpu.memory_space<hbm>> -> memref<1000002x128xf32, #tpu.memory_space<hbm>>
      tpu.wait_indirect_dma semaphore(%arg8 : memref<!tpu.dma_semaphore, #tpu.memory_space<semaphore_mem>>) src(%dma_wait3A_34 : memref<1000002x128xf32, #tpu.memory_space<hbm>>) dst(%arg6 : memref<400x128xf32, #tpu.memory_space<vmem>>)
      "tpu.region"() ({
        %run_scoped3A = tpu.sem_alloc : memref<!tpu.dma_semaphore, #tpu.memory_space<semaphore_mem>>
        %dma_start3A_42 = arith.constant 0 : i32
        %dma_start3A_43 = tpu.memref_slice %arg4[%add3A_20, %dma_start3A_42] : memref<819200x128xf32, #tpu.memory_space<hbm>> -> memref<400x128xf32, #tpu.memory_space<hbm>>
        %dma_start3A_44 = arith.constant 0 : i32
        %dma_start3A_45 = tpu.memref_slice %arg4[%add3A_20, %dma_start3A_44] : memref<819200x128xf32, #tpu.memory_space<hbm>> -> memref<400x128xf32, #tpu.memory_space<hbm>>
        tpu.enqueue_dma source(%arg6 : memref<400x128xf32, #tpu.memory_space<vmem>>) target(%dma_start3A_45 : memref<400x128xf32, #tpu.memory_space<hbm>>) target_semaphore(%run_scoped3A : memref<!tpu.dma_semaphore, #tpu.memory_space<semaphore_mem>>)
        %dma_wait3A_46 = arith.constant 0 : i32
        %dma_wait3A_47 = tpu.memref_slice %arg4[%add3A_20, %dma_wait3A_46] : memref<819200x128xf32, #tpu.memory_space<hbm>> -> memref<400x128xf32, #tpu.memory_space<hbm>>
        %dma_wait3A_48 = arith.constant 0 : i32
        %dma_wait3A_49 = tpu.memref_slice %arg4[%add3A_20, %dma_wait3A_48] : memref<819200x128xf32, #tpu.memory_space<hbm>> -> memref<400x128xf32, #tpu.memory_space<hbm>>
        tpu.wait_dma2 semaphore(%run_scoped3A : memref<!tpu.dma_semaphore, #tpu.memory_space<semaphore_mem>>) src(%arg6 : memref<400x128xf32, #tpu.memory_space<vmem>>) dst(%dma_wait3A_49 : memref<400x128xf32, #tpu.memory_space<hbm>>)
        tpu.yield
      }) : () -> ()
      %lt3A = arith.constant 31 : i32
      %lt3A_35 = arith.cmpi slt, %add3A_15, %lt3A : i32
      %convert_element_type3A = arith.extui %lt3A_35 : i1 to i32
      %cond3A = arith.constant 0 : i32
      %cond3A_36 = arith.cmpi ne, %convert_element_type3A, %cond3A : i32
      scf.if %cond3A_36 {
        %add3A_42 = arith.constant 2 : i32
        %add3A_43 = arith.addi %mul3A_17, %add3A_42 : i32
        %mul3A_44 = arith.constant 400 : i32
        %mul3A_45 = arith.muli %add3A_43, %mul3A_44 : i32
        %dma_start3A_46 = tpu.memref_slice %arg5[%mul3A_45] : memref<25600xi32, #tpu.memory_space<vmem>> -> memref<400xi32, #tpu.memory_space<vmem>>
        %dma_start3A_47 = arith.constant 0 : i32
        %dma_start3A_48 = arith.constant 0 : i32
        %dma_start3A_49 = tpu.memref_slice %arg3[%dma_start3A_47, %dma_start3A_48] : memref<1000002x128xf32, #tpu.memory_space<hbm>> -> memref<1000002x128xf32, #tpu.memory_space<hbm>>
        tpu.enqueue_indirect_dma source(%dma_start3A_49 : memref<1000002x128xf32, #tpu.memory_space<hbm>>) target(%arg6 : memref<400x128xf32, #tpu.memory_space<vmem>>) offsets(%dma_start3A_46 : memref<400xi32, #tpu.memory_space<vmem>>) semaphore(%arg8 : memref<!tpu.dma_semaphore, #tpu.memory_space<semaphore_mem>>)
      } else {
      }
      %dma_wait3A_37 = arith.constant 0 : i32
      %dma_wait3A_38 = tpu.memref_slice %arg5[%dma_wait3A_37] : memref<25600xi32, #tpu.memory_space<vmem>> -> memref<400xi32, #tpu.memory_space<vmem>>
      %dma_wait3A_39 = arith.constant 0 : i32
      %dma_wait3A_40 = arith.constant 0 : i32
      %dma_wait3A_41 = tpu.memref_slice %arg3[%dma_wait3A_39, %dma_wait3A_40] : memref<1000002x128xf32, #tpu.memory_space<hbm>> -> memref<1000002x128xf32, #tpu.memory_space<hbm>>
      tpu.wait_indirect_dma semaphore(%arg9 : memref<!tpu.dma_semaphore, #tpu.memory_space<semaphore_mem>>) src(%dma_wait3A_41 : memref<1000002x128xf32, #tpu.memory_space<hbm>>) dst(%arg7 : memref<400x128xf32, #tpu.memory_space<vmem>>)
      "tpu.region"() ({
        %run_scoped3A = tpu.sem_alloc : memref<!tpu.dma_semaphore, #tpu.memory_space<semaphore_mem>>
        %dma_start3A_42 = arith.constant 0 : i32
        %dma_start3A_43 = tpu.memref_slice %arg4[%add3A_22, %dma_start3A_42] : memref<819200x128xf32, #tpu.memory_space<hbm>> -> memref<400x128xf32, #tpu.memory_space<hbm>>
        %dma_start3A_44 = arith.constant 0 : i32
        %dma_start3A_45 = tpu.memref_slice %arg4[%add3A_22, %dma_start3A_44] : memref<819200x128xf32, #tpu.memory_space<hbm>> -> memref<400x128xf32, #tpu.memory_space<hbm>>
        tpu.enqueue_dma source(%arg7 : memref<400x128xf32, #tpu.memory_space<vmem>>) target(%dma_start3A_45 : memref<400x128xf32, #tpu.memory_space<hbm>>) target_semaphore(%run_scoped3A : memref<!tpu.dma_semaphore, #tpu.memory_space<semaphore_mem>>)
        %dma_wait3A_46 = arith.constant 0 : i32
        %dma_wait3A_47 = tpu.memref_slice %arg4[%add3A_22, %dma_wait3A_46] : memref<819200x128xf32, #tpu.memory_space<hbm>> -> memref<400x128xf32, #tpu.memory_space<hbm>>
        %dma_wait3A_48 = arith.constant 0 : i32
        %dma_wait3A_49 = tpu.memref_slice %arg4[%add3A_22, %dma_wait3A_48] : memref<819200x128xf32, #tpu.memory_space<hbm>> -> memref<400x128xf32, #tpu.memory_space<hbm>>
        tpu.wait_dma2 semaphore(%run_scoped3A : memref<!tpu.dma_semaphore, #tpu.memory_space<semaphore_mem>>) src(%arg7 : memref<400x128xf32, #tpu.memory_space<vmem>>) dst(%dma_wait3A_49 : memref<400x128xf32, #tpu.memory_space<hbm>>)
        tpu.yield
      }) : () -> ()
    }
    %scan3A_10 = arith.constant 32 : i32
    return
  }
}

</mosaic_0001>

<sc_bundles>
// kernel: _gather_rows.3.cloned.1.call-start
scs
__scs_entry_jumppad:
0x0: {  	(pc) =	sbr.rel $0x88, $3  }
0x1: {  	(tag) =	ssettag $0x0;
	lr =	simm.s32 $0x1  }
0x2: {  	[smem:$0x3F9F] =	sst lr;
	_ =	strace $0xD0000000  }
0x3: {  	_ = 	snop  }
0x4: {  	_ = 	snop  }
0x5: {  	_ = 	snop  }
0x6: {  	_ = 	snop  }
0x7: {  	_ = 	snop  }
__scs_overlays_trampoline_lowered:
0x8: {  	[smem:$0x3FAE] =	sst s0  }
0x9: {  	[smem:$0x3FAF] =	sst s1  }
0xa: {  	[smem:$0x3FB0] =	sst s2  }
0xb: {  	[smem:$0x3FB1] =	sst s3  }
0xc: {  	[smem:$0x3FB2] =	sst s4  }
0xd: {  	[smem:$0x3FB3] =	sst s5  }
0xe: {  	[smem:$0x3FB4] =	sst s6  }
0xf: {  	[smem:$0x3FB5] =	sst s7  }
0x10: {  	[smem:$0x3FB6] =	sst s8  }
0x11: {  	[smem:$0x3FB7] =	sst s9;
	s0 =	simm.s32 @!p0 $0x0  }
0x12: {  	s1 =	sld [smem:$0x3F9D];
	s0 =	simm.s32 @p0 $0x1  }
0x13: {  	[smem:$0x3FB8] =	sst s0;
	s0 =	simm.s32 @!p1 $0x0  }
0x14: {  	s2 =	sld [smem:$0x3F9C];
	s0 =	simm.s32 @p1 $0x1  }
0x15: {  	[smem:$0x3FB9] =	sst s0;
	s0 =	simm.s32 @!p2 $0x0  }
0x16: {  	s3 =	sld [smem:$0x3FDB];
	s0 =	simm.s32 @p2 $0x1  }
0x17: {  	s4 =	simm.s32 $0x1BF5;
	[smem:$0x3FBB] =	sst s0  }
0x18: {  	s0 =	sld [smem:$0x3F9E];
	_ =	swait.ge [sflag:s4], $0x0  }
0x19: {  	s7 =	sld [smem:$0x3F9F]  }
0x1a: {  	s8 =	sadd.s32 $0xFFFFE003, lr  }
0x1b: {  	s9 =	sadd.s32 $0xFFFFFEF7, lr;
	s5 =	simm.s32 $0xFFFFFFFF;
	p2 =	slt.u32 s8, $0xFFFFF086  }
0x1c: {  	p1 =	slt.u32 s9, $0xF7A;
	s5 =	simm.s32 @!p2 $0x0  }
0x1d: {  	s5 =	simm.s32 @p1 $0x1;
	p0 =	seq.s32 s7, s2  }
0x1e: {  	s7 =	smul.u32 @!p0 $0xF7A, s2;
	p2 =	seq.s32 @!p0 s5, $0x0  }
0x1f: {  	s9 =	smul.u32 $0xF7A, s1;
	s8 =	simm.s32 @!p0 $0x1BF5;
	p2 =	por !p2, p0  }
0x20: {  	[sflag:s8] =	ssyncset.s32 @!p0 $0xFFFFF086;
	s6 =	sadd.s32 @!p0 s3, s7;
	s7 =	simm.s32 @!p0 $0x108  }
0x21: {  	s3 =	sadd.s32 s3, s9;
	s6 =	sadd.s32 @!p0 $0x88, s6;
	s7 =	simm.s32 @p2 $0x1082  }
0x22: {  	[simem:s7], [sflag:s8] =	dma.local @!p0 [hbm:s6], $0xF7A  }
0x23: {  	s9 =	sor.u32 $0xD0000000, s2;
	s6 =	simm.s32 $0x108;
	_ =	swait.ge @!p0 [sflag:s8], $0x0  }
0x24: {  	s3 =	sadd.s32 $0x88, s3;
	s6 =	simm.s32 @!p1 $0x1082;
	[sflag:s4] =	ssyncset.s32 $0xFFFFF086  }
0x25: {  	[simem:s6], [sflag:s4] =	dma.local [hbm:s3], $0xF7A  }
0x26: {  	[smem:$0x3F9F] =	sst s1;
	(tag) =	ssettag s2;
	_ =	strace s9  }
0x27: {  	s1 =	sld [smem:$0x3FAF]  }
0x28: {  	s2 =	sld [smem:$0x3FB0]  }
0x29: {  	s4 =	sld [smem:$0x3FB2]  }
0x2a: {  	p0 =	seq.s32 s5, $0x0;
	s5 =	sld [smem:$0x3FB3]  }
0x2b: {  	s6 =	sld [smem:$0x3FB4]  }
0x2c: {  	s7 =	sld [smem:$0x3FB5]  }
0x2d: {  	s3 =	simm.s32 $0x108;
	s8 =	sld [smem:$0x3FB6]  }
0x2e: {  	s3 =	simm.s32 @!p0 $0x1082;
	s9 =	sld [smem:$0x3FB7]  }
0x2f: {  	lr =	sadd.s32 s0, s3;
	s0 =	sld [smem:$0x3FAE]  }
0x30: {  	s3 =	sld [smem:$0x3FB1]  }
0x31: {  	[smem:$0x3FBA] =	sst s10  }
0x32: {  	s10 =	sld [smem:$0x3FB8];
	_ =	sdelay $0x3  }
0x33: {  	p0 =	seq.s32 s10, $0x1;
	s10 =	sld [smem:$0x3FBA];
	_ =	sdelay $0x3  }
0x34: {  	[smem:$0x3FBA] =	sst s10  }
0x35: {  	s10 =	sld [smem:$0x3FB9];
	_ =	sdelay $0x3  }
0x36: {  	p1 =	seq.s32 s10, $0x1;
	s10 =	sld [smem:$0x3FBA];
	_ =	sdelay $0x3  }
0x37: {  	[smem:$0x3FBA] =	sst s10  }
0x38: {  	s10 =	sld [smem:$0x3FBB]  }
0x39: {  	_ = 	snop;
	(pc) =	sbr.ind lr, $3  }
0x3a: {  	_ = 	snop  }
0x3b: {  	_ = 	snop  }
0x3c: {  	p2 =	seq.s32 s10, $0x1;
	s10 =	sld [smem:$0x3FBA]  }
0x3d: {  	_ =	shalt  }
0x3e: {  	_ =	shalt  }
0x3f: {  	_ =	shalt  }
0x40: {  	_ =	shalt  }
0x41: {  	_ =	shalt  }
0x42: {  	_ =	shalt  }
0x43: {  	_ =	shalt  }
0x44: {  	_ =	shalt  }
0x45: {  	_ =	shalt  }
0x46: {  	_ =	shalt  }
0x47: {  	_ =	shalt  }
0x48: {  	_ =	shalt  }
0x49: {  	_ =	shalt  }
0x4a: {  	_ =	shalt  }
0x4b: {  	_ =	shalt  }
0x4c: {  	_ =	shalt  }
0x4d: {  	_ =	shalt  }
0x4e: {  	_ =	shalt  }
0x4f: {  	_ =	shalt  }
0x50: {  	_ =	shalt  }
0x51: {  	_ =	shalt  }
0x52: {  	_ =	shalt  }
0x53: {  	_ =	shalt  }
0x54: {  	_ =	shalt  }
0x55: {  	_ =	shalt  }
0x56: {  	_ =	shalt  }
0x57: {  	_ =	shalt  }
0x58: {  	_ =	shalt  }
0x59: {  	_ =	shalt  }
0x5a: {  	_ =	shalt  }
0x5b: {  	_ =	shalt  }
0x5c: {  	_ =	shalt  }
0x5d: {  	_ =	shalt  }
0x5e: {  	_ =	shalt  }
0x5f: {  	_ =	shalt  }
0x60: {  	_ =	shalt  }
0x61: {  	_ =	shalt  }
0x62: {  	_ =	shalt  }
0x63: {  	_ =	shalt  }
0x64: {  	_ =	shalt  }
0x65: {  	_ =	shalt  }
0x66: {  	_ =	shalt  }
0x67: {  	_ =	shalt  }
0x68: {  	_ =	shalt  }
0x69: {  	_ =	shalt  }
0x6a: {  	_ =	shalt  }
0x6b: {  	_ =	shalt  }
0x6c: {  	_ =	shalt  }
0x6d: {  	_ =	shalt  }
0x6e: {  	_ =	shalt  }
0x6f: {  	_ =	shalt  }
0x70: {  	_ =	shalt  }
0x71: {  	_ =	shalt  }
0x72: {  	_ =	shalt  }
0x73: {  	_ =	shalt  }
0x74: {  	_ =	shalt  }
0x75: {  	_ =	shalt  }
0x76: {  	_ =	shalt  }
0x77: {  	_ =	shalt  }
0x78: {  	_ =	shalt  }
0x79: {  	_ =	shalt  }
0x7a: {  	_ =	shalt  }
0x7b: {  	_ =	shalt  }
0x7c: {  	_ =	shalt  }
0x7d: {  	_ =	shalt  }
0x7e: {  	_ =	shalt  }
0x7f: {  	_ =	shalt  }
0x80: {  	_ =	shalt  }
0x81: {  	_ =	shalt  }
0x82: {  	_ =	shalt  }
0x83: {  	_ =	shalt  }
0x84: {  	_ =	shalt  }
0x85: {  	_ =	shalt  }
0x86: {  	_ =	shalt  }
0x87: {  	_ =	shalt  }
.Lfunc_end0:
.L_simem_size_0:
called_computation_lowered:
.L_overlay_start_0:
0x88: {  	s2 =	sld [smem:$0x3FD9]  }
0x89: {  	s3 =	sld [smem:$0x3FFE];
	_ =	sdelay $0x1  }
0x8a: {  	s1 =	srdreg.scid  }
0x8b: {  	s0 =	sand.u32 $0x1, s1  }
0x8c: {  	s18 =	sshll.u32 s0, $0xA;
	s2 =	sadd.s32 s3, s2  }
0x8d: {  	s2 =	sadd.s32 s2, s18  }
0x8e: {  	[smem:$0x3FC6] =	sst s2  }
0x8f: {  	_ = 	snop  }
0x90: {  	s2 =	sld [smem:$0x3FC9]  }
0x91: {  	s19 =	sld [smem:$0x3FC8]  }
0x92: {  	s4 =	sld [smem:$0x3FD0];
	(tm) =	ssettm $0x1  }
0x93: {  	s5 =	sld [smem:$0x3FFB];
	_ =	sdelay $0x3  }
0x94: {  	_ =	strace s5  }
0x95: {  	s5 =	sld [smem:$0x3FFC];
	_ =	sdelay $0x3  }
0x96: {  	_ =	strace s5  }
0x97: {  	s5 =	sld [smem:$0x3FFD];
	_ =	sdelay $0x3  }
0x98: {  	_ =	strace s5  }
0x99: {  	_ =	strace $0x8FFFFFFF  }
0x9a: {  	s20 =	sld [smem:$0x3FDB];
	_ =	sdelay $0x1  }
0x9b: {  	s6 =	simm.s32 $_scs_section_size  }
0x9c: {  	s7 =	simm.s32 $_size__tile_overlayer_lowered;
	s8 =	simm.s32 $_tile_overlayer_lowered  }
0x9d: {  	s23 =	simm.s32 $0x1BFF;
	s22 =	sshll.u32 s8, $0x1;
	s5 =	sadd.s32 s6, s20  }
0x9e: {  	s9 =	simm.s32 $0x0;
	s21 =	sshll.u32 s7, $0x1;
	s7 =	sadd.s32 s22, s5  }
0x9f: {  	[timem:s9], [sflag:s23] =	dma.local [hbm:s7], s21  }
0xa0: {  	_ =	swait.ge [sflag:s23], s21  }
0xa1: {  	s6 =	ssub.s32 $0x0, s21;
	[sflag:s23] =	ssyncset.done $0x0  }
0xa2: {  	[sflag:s23] =	ssyncadd.s32 s6;
	_ =	sdelay $0x1  }
0xa3: {  	s24 =	simm.s32 $0x1B8B  }
0xa4: {  	_ =	swait.ge [sflag:s24], $0x1  }
0xa5: {  	[sflag:s24] =	ssyncset.done $0x0  }
0xa6: {  	s25 =	simm.s32 $0x1B8E;
	[sflag:s24] =	ssyncadd.s32 $0xFFFFFFFF  }
0xa7: {  	s26 =	simm.s32 $execute0_lowered;
	[smem:$0x3FD2] =	sst s25  }
0xa8: {  	s6 =	sshll.u32 s26, $0x1;
	_ =	strace $0x80000046;
	[dreg:$0x1] =	wrdreg $0xFFFFFFFF  }
0xa9: {  	s28 =	simm.s32 $_size_execute0_lowered;
	s5 =	sadd.s32 s5, s6;
	[dreg:$0x0] =	wrdreg $0x0  }
0xaa: {  	s6 =	sshll.u32 s28, $0x1;
	[dreg:$0x2] =	wrdreg s5  }
0xab: {  	[dreg:$0x3] =	wrdreg s6  }
0xac: {  	[dreg:$0x4] =	wrdreg $0xC0  }
0xad: {  	_ =	task [dreg:s9], $0x5FFFF  }
0xae: {  	[dreg:$0x1] =	wrdreg $0xFFFFFFFF  }
0xaf: {  	[dreg:$0x0] =	wrdreg $0x60  }
0xb0: {  	[dreg:$0x2] =	wrdreg s2  }
0xb1: {  	[dreg:$0x3] =	wrdreg s19  }
0xb2: {  	[dreg:$0x4] =	wrdreg s4  }
0xb3: {  	[dreg:$0x5] =	wrdreg $0x9  }
0xb4: {  	_ =	task.clear_ibuf [dreg:s9], $0x6FFFF;
	_ =	strace $0x90000046  }
0xb5: {  	s29 =	simm.s32 $0x9;
	_ =	strace $0x80000048  }
0xb6: {  	_ =	swait.ge [sflag:s29], $0x1  }
0xb7: {  	[sflag:s29] =	ssyncadd.s32 $0xFFFFFFFF  }
0xb8: {  	_ =	strace $0x90000048  }
0xb9: {  	_ =	sfence  }
0xba: {  	s30 =	sld [smem:$0x0];
	_ =	sdelay $0x2  }
0xbb: {  	s31 =	sshll.u32 s1, $0xD;
	s1 =	sshrl.u32 s1, $0x2  }
0xbc: {  	s3 =	sand.u32 $0x4000, s31;
	s1 =	sadd.s32 s1, s30  }
0xbd: {  	s0 =	sor.u32 s3, s0;
	s1 =	sshll.u32 s1, $0x11  }
0xbe: {  	s0 =	sor.u32 s1, s0  }
0xbf: {  	s0 =	sadd.s32 $0x8F2B, s0  }
0xc0: {  	[sflag:s0] =	ssyncadd.remote.s32 $0x1  }
0xc1: {  	_ =	sfence.sel $0xFFFF  }
0xc2: {  	[dreg:$0x0] =	wrdreg $0xFFFFFFFF;
	(pc) =	sbr.abs _section_cstart, $3  }
0xc3: {  	[dreg:$0x1] =	wrdreg $0xFFFFFFFF  }
0xc4: {  	_ =	task.clear_ibuf [dreg:s9], $0x2FFFF;
	_ =	strace $0x9FFFFFFF  }
0xc5: {  	(tm) =	ssettm $0x7FFFFFFF  }
tec
execute0_lowered:
.L_overlay_start_1:
0x0: {  	(tag) =	ssettag $0x1  }
0x1: {  	s4 =	rddreg [dreg:$0x0]  }
0x2: {  	s2 =	rddreg [dreg:$0x1];
	s1 =	srdreg.scid  }
0x3: {  	s0 =	stileid.u32;
	s8 =	rddreg [dreg:$0x2]  }
0x4: {  	s3 =	simm.s32 $0x0;
	s12 =	simm.s32 $0x12C00;
	s13 =	simm.s32 $0x1  }
0x5: {  	s14 =	simm.s32 $0x2;
	s15 =	simm.s32 $0x6270;
	s16 =	simm.s32 $0x0  }
0x6: {  	s6 =	sand.u32 $0x1, s1;
	s5 =	sshll.u32 s0, $0x1;
	s29 =	smul.u32 $0xC8000, s0  }
0x7: {  	s1 =	rddreg [dreg:$0x3];
	s5 =	sor.u32 s6, s5;
	s31 =	smul.u32 $0x64000, s6  }
0x8: {  	[smem:$0x7FF] =	sst s3;
	s9 =	ssub.s32 $0x2, s6;
	s7 =	smul.u32 $0x6400, s5  }
0x9: {  	_ =	strace $0x80000047;
	s10 =	sshrl.u32 s9, $0x1;
	s11 =	smul.u32 $0x64000, s5  }
0xa: {  	s28 =	ssub.s32 s9, s10;
	s9 =	simm.s32 $0x3;
	s10 =	simm.s32 $0x190  }
0xb: {  	s7 =	sshrl.u32 s7, $0x3;
	s5 =	smax.u32 s28, $0x1;
	s30 =	sadd.s32 s8, s11  }
0xc: {  	s8 =	sadd.s32 s29, s8;
	s11 =	simm.s32 $0x6400;
	s4 =	sadd.s32 s4, s7  }
0xd: {  	s6 =	sadd.s32 $0x60E00, s30;
	s7 =	sadd.s32 $0x62700, s30;
	s8 =	sadd.s32 s31, s8  }
.LBB2_1:
0xe: {  	[tilespmem:s3], [sflag:$0x3] =	stream.linear.gather [hbm4b:s4+s3], $0x6400, $0x38;
	[tilespmem:$0x1F400] =	vst v63  }
0xf: {  	_ =	swait.ge [sflag:s9], $0x6400  }
0x10: {  	[sflag:s9] =	ssyncset.done $0x0  }
0x11: {  	[sflag:s9] =	ssyncadd.s32 $0xFFFF9C00  }
0x12: {  	[tilespmem:s11], [sflag:$0x1] =	stream.indirect.gather [hbm4b:s2+s10], $0x80, s3, s10, $0xb8;
	[tilespmem:$0x1F400] =	vst v63  }
0x13: {  	s17 =	simm.s32 $0x190  }
0x14: {  	[tilespmem:s12], [sflag:$0x2] =	stream.indirect.gather [hbm4b:s2+s10], $0x80, s17, s10, $0xb8;
	[tilespmem:$0x1F400] =	vst v63  }
0x15: {  	_ =	swait.ge [sflag:s13], $0xC800  }
0x16: {  	[sflag:s13] =	ssyncset.done $0x0  }
0x17: {  	s31 =	sadd.s32 $0x0, s8;
	[sflag:s13] =	ssyncadd.s32 $0xFFFF3800  }
0x18: {  	[hbm4b:s31+s3] =	stream.linear.scatter [tilespmem:s11], [sflag:$0x3], $0xC800, $0x38;
	[tilespmem:$0x1F400] =	vst v63  }
0x19: {  	_ =	swait.ge [sflag:s9], $0xC800  }
0x1a: {  	[sflag:s9] =	ssyncset.done $0x0  }
0x1b: {  	s18 =	simm.s32 $0x320;
	[sflag:s9] =	ssyncadd.s32 $0xFFFF3800  }
0x1c: {  	[tilespmem:s11], [sflag:$0x1] =	stream.indirect.gather [hbm4b:s2+s10], $0x80, s18, s10, $0xb8;
	[tilespmem:$0x1F400] =	vst v63  }
0x1d: {  	_ =	swait.ge [sflag:s14], $0xC800  }
0x1e: {  	[sflag:s14] =	ssyncset.done $0x0  }
0x1f: {  	s17 =	sadd.s32 $0x1900, s31;
	[sflag:s14] =	ssyncadd.s32 $0xFFFF3800  }
0x20: {  	[hbm4b:s17+s3] =	stream.linear.scatter [tilespmem:s12], [sflag:$0x3], $0xC800, $0x38;
	[tilespmem:$0x1F400] =	vst v63  }
0x21: {  	s19 =	simm.s32 $0x6400;
	_ =	swait.ge [sflag:s9], $0xC800  }
0x22: {  	s18 =	simm.s32 $0x3200;
	s17 =	simm.s32 $0x640;
	[sflag:s9] =	ssyncset.done $0x0  }
.LBB2_2:
0x23: {  	p0 =	sne.s32 s19, $0x5DC00;
	s20 =	sadd.s32 $0xFFFFFE70, s17;
	[sflag:s9] =	ssyncadd.s32 $0xFFFF3800  }
0x24: {  	[tilespmem:s12], [sflag:$0x2] =	stream.indirect.gather [hbm4b:s2+s10], $0x80, s20, s10, $0xb8;
	[tilespmem:$0x1F400] =	vst v63  }
0x25: {  	s20 =	smov.u32 s19;
	s19 =	sadd.s32 $0x3200, s19;
	_ =	swait.ge [sflag:s13], $0xC800  }
0x26: {  	[sflag:s13] =	ssyncset.done $0x0  }
0x27: {  	s21 =	sadd.s32 s18, s8;
	s18 =	smov.u32 s20;
	[sflag:s13] =	ssyncadd.s32 $0xFFFF3800  }
0x28: {  	[hbm4b:s21+s3] =	stream.linear.scatter [tilespmem:s11], [sflag:$0x3], $0xC800, $0x38;
	[tilespmem:$0x1F400] =	vst v63  }
0x29: {  	_ =	swait.ge [sflag:s9], $0xC800  }
0x2a: {  	[sflag:s9] =	ssyncset.done $0x0  }
0x2b: {  	[sflag:s9] =	ssyncadd.s32 $0xFFFF3800  }
0x2c: {  	[tilespmem:s11], [sflag:$0x1] =	stream.indirect.gather [hbm4b:s2+s10], $0x80, s17, s10, $0xb8;
	[tilespmem:$0x1F400] =	vst v63  }
0x2d: {  	_ =	swait.ge [sflag:s14], $0xC800  }
.Ltmp0:
0x2e: {  	[sflag:s14] =	ssyncset.done $0x0;
	(pc) =	sbr.rel @p0 .LBB2_2-.Ltmp0, $4  }
0x2f: {  	s20 =	sadd.s32 $0x1900, s21;
	[sflag:s14] =	ssyncadd.s32 $0xFFFF3800  }
0x30: {  	[hbm4b:s20+s3] =	stream.linear.scatter [tilespmem:s12], [sflag:$0x3], $0xC800, $0x38;
	[tilespmem:$0x1F400] =	vst v63  }
0x31: {  	_ =	swait.ge [sflag:s9], $0xC800  }
0x32: {  	s17 =	sadd.s32 $0x320, s17;
	[sflag:s9] =	ssyncset.done $0x0  }
0x33: {  	s19 =	sadd.s32 $0xFFFFFE70, s17;
	[sflag:s9] =	ssyncadd.s32 $0xFFFF3800  }
0x34: {  	[tilespmem:s12], [sflag:$0x2] =	stream.indirect.gather [hbm4b:s2+s10], $0x80, s19, s10, $0xb8;
	[tilespmem:$0x1F400] =	vst v63  }
0x35: {  	_ =	swait.ge [sflag:s13], $0xC800  }
0x36: {  	[sflag:s13] =	ssyncset.done $0x0  }
0x37: {  	s18 =	sadd.s32 s18, s8;
	[sflag:s13] =	ssyncadd.s32 $0xFFFF3800  }
0x38: {  	[hbm4b:s18+s3] =	stream.linear.scatter [tilespmem:s11], [sflag:$0x3], $0xC800, $0x38;
	[tilespmem:$0x1F400] =	vst v63  }
0x39: {  	_ =	swait.ge [sflag:s9], $0xC800  }
0x3a: {  	[sflag:s9] =	ssyncset.done $0x0  }
0x3b: {  	[sflag:s9] =	ssyncadd.s32 $0xFFFF3800  }
0x3c: {  	[tilespmem:s11], [sflag:$0x1] =	stream.indirect.gather [hbm4b:s2+s10], $0x80, s17, s10, $0xb8;
	[tilespmem:$0x1F400] =	vst v63  }
0x3d: {  	_ =	swait.ge [sflag:s14], $0xC800  }
0x3e: {  	[sflag:s14] =	ssyncset.done $0x0  }
0x3f: {  	s31 =	sadd.s32 $0x1900, s18;
	[sflag:s14] =	ssyncadd.s32 $0xFFFF3800  }
0x40: {  	[hbm4b:s31+s3] =	stream.linear.scatter [tilespmem:s12], [sflag:$0x3], $0xC800, $0x38;
	[tilespmem:$0x1F400] =	vst v63  }
0x41: {  	_ =	swait.ge [sflag:s9], $0xC800  }
0x42: {  	[sflag:s9] =	ssyncset.done $0x0  }
0x43: {  	[sflag:s9] =	ssyncadd.s32 $0xFFFF3800  }
0x44: {  	[tilespmem:s12], [sflag:$0x2] =	stream.indirect.gather [hbm4b:s2+s10], $0x80, s15, s10, $0xb8;
	[tilespmem:$0x1F400] =	vst v63  }
0x45: {  	_ =	swait.ge [sflag:s13], $0xC800  }
0x46: {  	[sflag:s13] =	ssyncset.done $0x0  }
0x47: {  	[sflag:s13] =	ssyncadd.s32 $0xFFFF3800  }
0x48: {  	[hbm4b:s6+s3] =	stream.linear.scatter [tilespmem:s11], [sflag:$0x3], $0xC800, $0x38;
	[tilespmem:$0x1F400] =	vst v63  }
0x49: {  	_ =	swait.ge [sflag:s9], $0xC800  }
0x4a: {  	[sflag:s9] =	ssyncset.done $0x0  }
0x4b: {  	[sflag:s9] =	ssyncadd.s32 $0xFFFF3800  }
0x4c: {  	s16 =	sadd.s32 $0x1, s16;
	_ =	swait.ge [sflag:s14], $0xC800  }
0x4d: {  	p0 =	sne.s32 s16, s5;
	[sflag:s14] =	ssyncset.done $0x0  }
.Ltmp1:
0x4e: {  	[sflag:s14] =	ssyncadd.s32 $0xFFFF3800;
	(pc) =	sbr.rel @p0 .LBB2_1-.Ltmp1, $4  }
0x4f: {  	[hbm4b:s7+s3] =	stream.linear.scatter [tilespmem:s12], [sflag:$0x3], $0xC800, $0x38;
	[tilespmem:$0x1F400] =	vst v63  }
0x50: {  	_ =	swait.ge [sflag:s9], $0xC800  }
0x51: {  	[sflag:s9] =	ssyncset.done $0x0  }
0x52: {  	[sflag:s9] =	ssyncadd.s32 $0xFFFF3800  }
0x53: {  	_ =	sfence.sel $0x180000  }
0x54: {  	[bflag:$0x0] =	sbarrier.arrive $0xFFFF  }
0x55: {  	p0 =	sne.s32 s0, $0x0;
	_ =	strace $0x90000047  }
0x56: {  	s0 =	sadd.s32 @!p0 $0x100000, s1;
	[bflag:$0x2] =	sbarrier.arrive $0xFFFF  }
0x57: {  	[sflag:s0] =	ssyncadd.tile.s32 @!p0 $0x1;
	_ =	shalt  }
.Lfunc_end2:
_tile_overlayer_lowered:
.L_overlay_start_2:
0x58: {  	(tag) =	ssettag $0x2  }
0x59: {  	s0 =	rddreg [dreg:$0x0];
	s2 =	stileid.u32  }
0x5a: {  	s1 =	rddreg [dreg:$0x1];
	p0 =	sne.s32 s2, $0x0  }
0x5b: {  	s3 =	rddreg [dreg:$0x2];
	[bflag:$0x3] =	sbarrier.arrive $0xFFFF;
	s2 =	simm.s32 @!p0 $0x1C03  }
0x5c: {  	[timem:s3], [sflag:s2] =	dma.local @!p0 [hbm:s0], s1  }
0x5d: {  	s0 =	simm.s32 @!p0 $0x3  }
0x5e: {  	_ =	swait.ge @!p0 [sflag:s0], s1  }
0x5f: {  	s1 =	ssub.s32 @!p0 $0x0, s1;
	[sflag:s0] =	ssyncset.done @!p0 $0x0  }
0x60: {  	[sflag:s0] =	ssyncadd.s32 @!p0 s1  }
0x61: {  	[bflag:$0x3] =	sbarrier.arrive $0xFFFF  }
0x62: {  	_ =	shalt  }

</sc_bundles>
